<compile_context>
chip_gen: v7x
topology: tpu7x:2x2x1
jax: 0.10.2.dev20260603
libtpu: 0.0.44.dev20260713+nightly
codegen_flags: <defaults>
</compile_context>

<pallas_src>
import functools

import jax
import jax.numpy as jnp
from jax import lax
from jax.experimental import pallas as pl
from jax.experimental.pallas import tpu as pltpu
from jax.experimental.pallas import tpu_sc as plsc

V = 100000
F = 26
D = 16
NUM_FEATURES = 13
B = 16384
H1 = 128
H2 = 64

N = B * F
NC = 2
NS = 16
NW = NC * NS
CHUNK = 128
ROWS = N // CHUNK
NCH = ROWS // NW
K = 8


TW = 512
NTC = (V * F) // TW
TAIL = V * F - NTC * TW


def _sc_tr_body(tblT_hbm, tail_hbm, out_hbm, in_v, out_v, tail_v):
    c = lax.axis_index("c")
    s = lax.axis_index("s")
    wid = s * NC + c
    iota = lax.iota(jnp.int32, 16)

    @pl.when(wid == 0)
    def _():
        pltpu.sync_copy(tail_hbm, tail_v)
        pltpu.sync_copy(tail_v, out_hbm.at[pl.ds(NTC * TW, TAIL)])

    nt = (NTC - wid + NW - 1) // NW

    def chunk(t, carry):
        cc = wid + t * NW
        pltpu.sync_copy(tblT_hbm.at[:, pl.ds(cc * TW, TW)], in_v)

        def row(r, carry2):
            rv = jnp.broadcast_to(r, (16,)).astype(jnp.int32)
            out_v[r, :] = plsc.load_gather(in_v, [iota, rv])
            return carry2

        lax.fori_loop(0, TW, row, 0)
        pltpu.sync_copy(out_v, out_hbm.at[pl.ds(cc * TW, TW)])
        return carry

    lax.fori_loop(0, nt, chunk, 0)


@jax.jit
def _sc_transpose(tablesT, tail):
    mesh = plsc.VectorSubcoreMesh(core_axis_name="c", subcore_axis_name="s")
    return pl.kernel(
        _sc_tr_body,
        out_type=jax.ShapeDtypeStruct((V * F, D), jnp.float32),
        mesh=mesh,
        compiler_params=pltpu.CompilerParams(
            use_tc_tiling_on_sc=True, needs_layout_passes=False),
        scratch_types=[
            pltpu.VMEM((D, TW), jnp.float32),
            pltpu.VMEM((TW, D), jnp.float32),
            pltpu.VMEM((TAIL, D), jnp.float32),
        ],
    )(tablesT, tail)


def _sc_gather_body(tbl_hbm, idx_hbm, out_hbm, idx_v, buf, sem):
    c = lax.axis_index("c")
    s = lax.axis_index("s")
    wid = s * NC + c
    row0 = wid * NCH
    pltpu.sync_copy(idx_hbm.at[pl.ds(row0, NCH)], idx_v)

    def group(t, carry):
        j0 = t * K
        for b in range(K):
            pltpu.async_copy(
                tbl_hbm.at[idx_v.at[j0 + b]],
                buf.at[pl.ds(b * CHUNK, CHUNK)],
                sem,
            )
        for b in range(K):
            pltpu.make_async_copy(
                tbl_hbm.at[idx_v.at[j0 + b]],
                buf.at[pl.ds(b * CHUNK, CHUNK)],
                sem,
            ).wait()
        pltpu.sync_copy(
            buf, out_hbm.at[pl.ds((row0 + j0) * CHUNK, K * CHUNK)]
        )
        return carry

    lax.fori_loop(0, NCH // K, group, 0)


@jax.jit
def _sc_gather(tables, idx_rows):
    mesh = plsc.VectorSubcoreMesh(core_axis_name="c", subcore_axis_name="s")
    return pl.kernel(
        _sc_gather_body,
        out_type=jax.ShapeDtypeStruct((N, D), jnp.float32),
        mesh=mesh,
        compiler_params=pltpu.CompilerParams(use_tc_tiling_on_sc=False),
        scratch_types=[
            pltpu.VMEM((NCH, CHUNK), jnp.int32),
            pltpu.VMEM((K * CHUNK, D), jnp.float32),
            pltpu.SemaphoreType.DMA,
        ],
    )(tables, idx_rows)


BB = 1024


def _mlp_body(xn_ref, emb_ref, w1a_ref, w1b_ref, b1_ref, g1_ref, be1_ref,
              w2_ref, b2_ref, g2_ref, be2_ref, w3_ref, b3_ref, out_ref):
    hp = jax.lax.Precision.HIGHEST
    x1 = (
        jnp.dot(xn_ref[...], w1a_ref[...], precision=hp,
                preferred_element_type=jnp.float32)
        + jnp.dot(emb_ref[...], w1b_ref[...], precision=hp,
                  preferred_element_type=jnp.float32)
        + b1_ref[...]
    )
    m1 = jnp.mean(x1, axis=-1, keepdims=True)
    v1 = jnp.mean((x1 - m1) * (x1 - m1), axis=-1, keepdims=True)
    h1 = (x1 - m1) / jnp.sqrt(v1 + 1e-5) * g1_ref[...] + be1_ref[...]
    h1 = jnp.maximum(h1, 0.0)

    x2 = jnp.dot(h1, w2_ref[...], precision=hp,
                 preferred_element_type=jnp.float32) + b2_ref[...]
    m2 = jnp.mean(x2, axis=-1, keepdims=True)
    v2 = jnp.mean((x2 - m2) * (x2 - m2), axis=-1, keepdims=True)
    h2 = (x2 - m2) / jnp.sqrt(v2 + 1e-5) * g2_ref[...] + be2_ref[...]
    h2 = jnp.maximum(h2, 0.0)

    out_ref[...] = jnp.dot(h2, w3_ref[...], precision=hp,
                           preferred_element_type=jnp.float32) + b3_ref[...]


@jax.jit
def _mlp(x_num, emb, W1a, W1b, b1, g1, be1, W2, b2, g2, be2, W3, b3):
    full = lambda shape: pl.BlockSpec(shape, lambda i: (0, 0))
    return pl.pallas_call(
        _mlp_body,
        grid=(B // BB,),
        in_specs=[
            pl.BlockSpec((BB, NUM_FEATURES), lambda i: (i, 0)),
            pl.BlockSpec((BB, F * D), lambda i: (i, 0)),
            full((NUM_FEATURES, H1)),
            full((F * D, H1)),
            full((1, H1)),
            full((1, H1)),
            full((1, H1)),
            full((H1, H2)),
            full((1, H2)),
            full((1, H2)),
            full((1, H2)),
            full((H2, 1)),
            full((1, 1)),
        ],
        out_specs=pl.BlockSpec((BB, 1), lambda i: (i, 0)),
        out_shape=jax.ShapeDtypeStruct((B, 1), jnp.float32),
    )(x_num, emb, W1a, W1b, b1.reshape(1, H1), g1.reshape(1, H1),
      be1.reshape(1, H1), W2, b2.reshape(1, H2), g2.reshape(1, H2),
      be2.reshape(1, H2), W3, b3.reshape(1, 1))


def kernel(x_num, x_cat, tables, W1, b1, g1, be1, W2, b2, g2, be2, W3, b3):
    offs = (jnp.arange(F, dtype=jnp.int32) * V)[None, :]
    idx_rows = (x_cat + offs).reshape(ROWS, CHUNK)
    tbl_lin = _sc_transpose(tables.T, tables[NTC * TW:])
    emb = _sc_gather(tbl_lin, idx_rows).reshape(B, F * D)
    W1a = W1[:NUM_FEATURES]
    W1b = W1[NUM_FEATURES:]
    return _mlp(x_num, emb, W1a, W1b, b1, g1, be1, W2, b2, g2, be2, W3, b3)

# --- scband reference (transcript-rebuilt; emitter-appended) ---
"""Pipeline reference for scband-click-model-14164802142913 (READ-ONLY COPY).

The authoritative reference and input builder live on the scoring server;
editing this copy changes nothing except your own understanding.
"""

import jax, jax.numpy as jnp
import numpy as np

V = 100000
F = 26
D = 16
NUM_FEATURES = 13
B = 16384
H1 = 128
H2 = 64


def layernorm(x, g, b):
    m = jnp.mean(x, axis=-1, keepdims=True)
    v = jnp.var(x, axis=-1, keepdims=True)
    return (x - m) / jnp.sqrt(v + 1e-5) * g + b


def setup_inputs(seed: int = 0) -> dict:
    key = jax.random.key(seed)
    ks = jax.random.split(key, 12)
    x_num = jax.random.normal(ks[0], (B, NUM_FEATURES), dtype=jnp.float32)
    x_cat = jax.random.randint(ks[1], (B, F), 0, V, dtype=jnp.int32)
    # 26 embedding tables of shape [V, D], flattened into one [F*V, D] array
    tables = jax.random.normal(ks[2], (F * V, D), dtype=jnp.float32) * 0.02
    # padding_idx=0 per field -> zero row 0 of each table
    pad_rows = jnp.arange(F) * V
    tables = tables.at[pad_rows].set(0.0)
    in_dim = NUM_FEATURES + F * D
    W1 = jax.random.normal(ks[3], (in_dim, H1), dtype=jnp.float32) * (1.0 / np.sqrt(in_dim))
    b1 = jnp.zeros((H1,), dtype=jnp.float32)
    g1 = jnp.ones((H1,), dtype=jnp.float32)
    be1 = jnp.zeros((H1,), dtype=jnp.float32)
    W2 = jax.random.normal(ks[4], (H1, H2), dtype=jnp.float32) * (1.0 / np.sqrt(H1))
    b2 = jnp.zeros((H2,), dtype=jnp.float32)
    g2 = jnp.ones((H2,), dtype=jnp.float32)
    be2 = jnp.zeros((H2,), dtype=jnp.float32)
    W3 = jax.random.normal(ks[5], (H2, 1), dtype=jnp.float32) * (1.0 / np.sqrt(H2))
    b3 = jnp.zeros((1,), dtype=jnp.float32)
    return {"x_num": x_num, "x_cat": x_cat, "tables": tables,
            "W1": W1, "b1": b1, "g1": g1, "be1": be1,
            "W2": W2, "b2": b2, "g2": g2, "be2": be2,
            "W3": W3, "b3": b3}


def reference(x_num, x_cat, tables, W1, b1, g1, be1, W2, b2, g2, be2, W3, b3):
    # per-field embedding lookup (field i gathers from its own table via offset)
    offsets = jnp.arange(F, dtype=x_cat.dtype)[None, :] * V
    idx = (x_cat + offsets).reshape(-1)
    emb = jnp.take(tables, idx, axis=0).reshape(x_cat.shape[0], F * D)
    x = jnp.concatenate([x_num, emb], axis=1)
    h = jax.nn.relu(layernorm(x @ W1 + b1, g1, be1))
    h = jax.nn.relu(layernorm(h @ W2 + b2, g2, be2))
    return h @ W3 + b3

if __name__ == "__main__":
    import jax
    _d = setup_inputs()
    print(jax.jit(kernel)(*tuple(_d.values())))

</pallas_src>

<mosaic_0001>
#map = affine_map<(d0, d1) -> (0, 0)>
module attributes {stable_mosaic.version = 14 : i64} {
  func.func @_sc_tr_body(%arg0: i32, %arg1: i32, %arg2: memref<16x2600000xf32, #tpu.memory_space<hbm>>, %arg3: memref<64x16xf32, #tpu.memory_space<hbm>>, %arg4: memref<2600000x16xf32, #tpu.memory_space<hbm>>, %arg5: memref<16x512xf32, #tpu.memory_space<vmem>>, %arg6: memref<512x16xf32, #tpu.memory_space<vmem>>, %arg7: memref<64x16xf32, #tpu.memory_space<vmem>>) attributes {dimension_semantics = [#tpu.dimension_semantics<core_parallel>, #tpu.dimension_semantics<subcore_parallel>], iteration_bounds = array<i64: 2, 16>, scalar_prefetch = 0 : i64, scratch_operands = 3 : i64, tpu.core_type = #tpu.core_type<sc_vector_subcore>, window_params = [{transform_indices = #map}, {transform_indices = #map}, {transform_indices = #map}]} {
    %mul3A = arith.constant 2 : i32
    %mul3A_0 = arith.muli %arg1, %mul3A : i32
    %add3A = arith.addi %mul3A_0, %arg0 : i32
    %iota3A = tpu.iota {dimensions = array<i32: 0>} : vector<16xi32>
    %eq3A = arith.constant 0 : i32
    %eq3A_1 = arith.cmpi eq, %add3A, %eq3A : i32
    %convert_element_type3A = arith.extui %eq3A_1 : i1 to i32
    %cond3A = arith.constant 0 : i32
    %cond3A_2 = arith.cmpi ne, %convert_element_type3A, %cond3A : i32
    scf.if %cond3A_2 {
      "tpu.region"() ({
        %run_scoped3A = tpu.sem_alloc : memref<!tpu.dma_semaphore, #tpu.memory_space<semaphore_mem>>
        tpu.enqueue_dma source(%arg3 : memref<64x16xf32, #tpu.memory_space<hbm>>) target(%arg7 : memref<64x16xf32, #tpu.memory_space<vmem>>) target_semaphore(%run_scoped3A : memref<!tpu.dma_semaphore, #tpu.memory_space<semaphore_mem>>)
        tpu.wait_dma2 semaphore(%run_scoped3A : memref<!tpu.dma_semaphore, #tpu.memory_space<semaphore_mem>>) src(%arg3 : memref<64x16xf32, #tpu.memory_space<hbm>>) dst(%arg7 : memref<64x16xf32, #tpu.memory_space<vmem>>)
        tpu.yield
      }) : () -> ()
      "tpu.region"() ({
        %run_scoped3A = tpu.sem_alloc : memref<!tpu.dma_semaphore, #tpu.memory_space<semaphore_mem>>
        %dma_start3A = arith.constant 2599936 : i32
        %dma_start3A_34 = arith.constant 0 : i32
        %dma_start3A_35 = tpu.memref_slice %arg4[%dma_start3A, %dma_start3A_34] : memref<2600000x16xf32, #tpu.memory_space<hbm>> -> memref<64x16xf32, #tpu.memory_space<hbm>>
        %dma_start3A_36 = arith.constant 2599936 : i32
        %dma_start3A_37 = arith.constant 0 : i32
        %dma_start3A_38 = tpu.memref_slice %arg4[%dma_start3A_36, %dma_start3A_37] : memref<2600000x16xf32, #tpu.memory_space<hbm>> -> memref<64x16xf32, #tpu.memory_space<hbm>>
        tpu.enqueue_dma source(%arg7 : memref<64x16xf32, #tpu.memory_space<vmem>>) target(%dma_start3A_38 : memref<64x16xf32, #tpu.memory_space<hbm>>) target_semaphore(%run_scoped3A : memref<!tpu.dma_semaphore, #tpu.memory_space<semaphore_mem>>)
        %dma_wait3A = arith.constant 2599936 : i32
        %dma_wait3A_39 = arith.constant 0 : i32
        %dma_wait3A_40 = tpu.memref_slice %arg4[%dma_wait3A, %dma_wait3A_39] : memref<2600000x16xf32, #tpu.memory_space<hbm>> -> memref<64x16xf32, #tpu.memory_space<hbm>>
        %dma_wait3A_41 = arith.constant 2599936 : i32
        %dma_wait3A_42 = arith.constant 0 : i32
        %dma_wait3A_43 = tpu.memref_slice %arg4[%dma_wait3A_41, %dma_wait3A_42] : memref<2600000x16xf32, #tpu.memory_space<hbm>> -> memref<64x16xf32, #tpu.memory_space<hbm>>
        tpu.wait_dma2 semaphore(%run_scoped3A : memref<!tpu.dma_semaphore, #tpu.memory_space<semaphore_mem>>) src(%arg7 : memref<64x16xf32, #tpu.memory_space<vmem>>) dst(%dma_wait3A_43 : memref<64x16xf32, #tpu.memory_space<hbm>>)
        tpu.yield
      }) : () -> ()
    } else {
    }
    %sub3A = arith.constant 5078 : i32
    %sub3A_3 = arith.subi %sub3A, %add3A : i32
    %add3A_4 = arith.constant 32 : i32
    %add3A_5 = arith.addi %sub3A_3, %add3A_4 : i32
    %sub3A_6 = arith.constant 1 : i32
    %sub3A_7 = arith.subi %add3A_5, %sub3A_6 : i32
    %jit3A = arith.constant 32 : i32
    %div3A = arith.divsi %sub3A_7, %jit3A : i32
    %sign3A = arith.constant 0 : i32
    %sign3A_8 = arith.cmpi sgt, %sub3A_7, %sign3A : i32
    %sign3A_9 = arith.extui %sign3A_8 : i1 to i32
    %sign3A_10 = arith.constant 0 : i32
    %sign3A_11 = arith.cmpi slt, %sub3A_7, %sign3A_10 : i32
    %sign3A_12 = arith.extui %sign3A_11 : i1 to i32
    %sign3A_13 = arith.subi %sign3A_9, %sign3A_12 : i32
    %sign3A_14 = arith.constant 0 : i32
    %sign3A_15 = arith.cmpi sgt, %jit3A, %sign3A_14 : i32
    %sign3A_16 = arith.extui %sign3A_15 : i1 to i32
    %sign3A_17 = arith.constant 0 : i32
    %sign3A_18 = arith.cmpi slt, %jit3A, %sign3A_17 : i32
    %sign3A_19 = arith.extui %sign3A_18 : i1 to i32
    %sign3A_20 = arith.subi %sign3A_16, %sign3A_19 : i32
    %ne3A = arith.cmpi ne, %sign3A_13, %sign3A_20 : i32
    %rem3A = arith.remsi %sub3A_7, %jit3A : i32
    %ne3A_21 = arith.constant 0 : i32
    %ne3A_22 = arith.cmpi ne, %rem3A, %ne3A_21 : i32
    %and3A = arith.andi %ne3A, %ne3A_22 : i1
    %sub3A_23 = arith.constant 1 : i32
    %sub3A_24 = arith.subi %div3A, %sub3A_23 : i32
    %select_n3A = arith.select %and3A, %sub3A_24, %div3A : i32
    %while3A = arith.constant 0 : i32
    %while3A_25 = arith.constant 0 : i32
    %while3A_26 = arith.subi %select_n3A, %while3A_25 : i32
    %while3A_27 = arith.addi %while3A_25, %while3A_26 : i32
    %while3A_28 = arith.constant 1 : i32
    %while3A_29 = arith.divsi %while3A_26, %while3A_28 : i32
    %while3A_30 = arith.muli %while3A_29, %while3A_28 : i32
    %while3A_31 = arith.addi %while3A_25, %while3A_30 : i32
    %while3A_32 = arith.constant 1 : i32
    scf.for %while3A_34 = %while3A_25 to %while3A_31 step %while3A_32  : i32 {
      %mul3A_35 = arith.constant 32 : i32
      %mul3A_36 = arith.muli %while3A_34, %mul3A_35 : i32
      %add3A_37 = arith.addi %add3A, %mul3A_36 : i32
      %mul3A_38 = arith.constant 512 : i32
      %mul3A_39 = arith.muli %add3A_37, %mul3A_38 : i32
      "tpu.region"() ({
        %run_scoped3A = tpu.sem_alloc : memref<!tpu.dma_semaphore, #tpu.memory_space<semaphore_mem>>
        %dma_start3A = arith.constant 0 : i32
        %dma_start3A_47 = tpu.memref_slice %arg2[%dma_start3A, %mul3A_39] : memref<16x2600000xf32, #tpu.memory_space<hbm>> -> memref<16x512xf32, #tpu.memory_space<hbm>>
        %dma_start3A_48 = arith.constant 0 : i32
        %dma_start3A_49 = tpu.memref_slice %arg2[%dma_start3A_48, %mul3A_39] : memref<16x2600000xf32, #tpu.memory_space<hbm>> -> memref<16x512xf32, #tpu.memory_space<hbm>>
        tpu.enqueue_dma source(%dma_start3A_49 : memref<16x512xf32, #tpu.memory_space<hbm>>) target(%arg5 : memref<16x512xf32, #tpu.memory_space<vmem>>) target_semaphore(%run_scoped3A : memref<!tpu.dma_semaphore, #tpu.memory_space<semaphore_mem>>)
        %dma_wait3A = arith.constant 0 : i32
        %dma_wait3A_50 = tpu.memref_slice %arg2[%dma_wait3A, %mul3A_39] : memref<16x2600000xf32, #tpu.memory_space<hbm>> -> memref<16x512xf32, #tpu.memory_space<hbm>>
        %dma_wait3A_51 = arith.constant 0 : i32
        %dma_wait3A_52 = tpu.memref_slice %arg2[%dma_wait3A_51, %mul3A_39] : memref<16x2600000xf32, #tpu.memory_space<hbm>> -> memref<16x512xf32, #tpu.memory_space<hbm>>
        tpu.wait_dma2 semaphore(%run_scoped3A : memref<!tpu.dma_semaphore, #tpu.memory_space<semaphore_mem>>) src(%dma_wait3A_52 : memref<16x512xf32, #tpu.memory_space<hbm>>) dst(%arg5 : memref<16x512xf32, #tpu.memory_space<vmem>>)
        tpu.yield
      }) : () -> ()
      %scan3A = arith.constant 0 : i32
      %scan3A_40 = arith.constant 0 : i32
      %scan3A_41 = arith.constant 512 : i32
      %scan3A_42 = arith.addi %scan3A_40, %scan3A_41 : i32
      %scan3A_43 = arith.constant 1 : i32
      scf.for %scan3A_47 = %scan3A_40 to %scan3A_42 step %scan3A_43  : i32 {
        %broadcast_in_dim3A = vector.broadcast %scan3A_47 : i32 to vector<16xi32>
        %gather3A = tpu.vector_load_idx %arg5[%iota3A, %broadcast_in_dim3A] : memref<16x512xf32, #tpu.memory_space<vmem>>[vector<16xi32>, vector<16xi32>], vector<16xf32>,
        %swap3A = arith.index_cast %scan3A_47 : i32 to index
        %swap3A_48 = arith.constant 0 : index
        %swap3A_49 = tpu.vector_load %arg6[%swap3A, %swap3A_48] {strides = array<i32>} : memref<512x16xf32, #tpu.memory_space<vmem>>, vector<16xf32>,
        tpu.vector_store %arg6[%swap3A, %swap3A_48], %gather3A {strides = array<i32>} : memref<512x16xf32, #tpu.memory_space<vmem>>, vector<16xf32>,
      }
      %scan3A_44 = arith.constant 512 : i32
      %mul3A_45 = arith.constant 512 : i32
      %mul3A_46 = arith.muli %add3A_37, %mul3A_45 : i32
      "tpu.region"() ({
        %run_scoped3A = tpu.sem_alloc : memref<!tpu.dma_semaphore, #tpu.memory_space<semaphore_mem>>
        %dma_start3A = arith.constant 0 : i32
        %dma_start3A_47 = tpu.memref_slice %arg4[%mul3A_46, %dma_start3A] : memref<2600000x16xf32, #tpu.memory_space<hbm>> -> memref<512x16xf32, #tpu.memory_space<hbm>>
        %dma_start3A_48 = arith.constant 0 : i32
        %dma_start3A_49 = tpu.memref_slice %arg4[%mul3A_46, %dma_start3A_48] : memref<2600000x16xf32, #tpu.memory_space<hbm>> -> memref<512x16xf32, #tpu.memory_space<hbm>>
        tpu.enqueue_dma source(%arg6 : memref<512x16xf32, #tpu.memory_space<vmem>>) target(%dma_start3A_49 : memref<512x16xf32, #tpu.memory_space<hbm>>) target_semaphore(%run_scoped3A : memref<!tpu.dma_semaphore, #tpu.memory_space<semaphore_mem>>)
        %dma_wait3A = arith.constant 0 : i32
        %dma_wait3A_50 = tpu.memref_slice %arg4[%mul3A_46, %dma_wait3A] : memref<2600000x16xf32, #tpu.memory_space<hbm>> -> memref<512x16xf32, #tpu.memory_space<hbm>>
        %dma_wait3A_51 = arith.constant 0 : i32
        %dma_wait3A_52 = tpu.memref_slice %arg4[%mul3A_46, %dma_wait3A_51] : memref<2600000x16xf32, #tpu.memory_space<hbm>> -> memref<512x16xf32, #tpu.memory_space<hbm>>
        tpu.wait_dma2 semaphore(%run_scoped3A : memref<!tpu.dma_semaphore, #tpu.memory_space<semaphore_mem>>) src(%arg6 : memref<512x16xf32, #tpu.memory_space<vmem>>) dst(%dma_wait3A_52 : memref<512x16xf32, #tpu.memory_space<hbm>>)
        tpu.yield
      }) : () -> ()
    }
    %while3A_33 = arith.constant 1 : i32
    scf.for %while3A_34 = %while3A_31 to %while3A_27 step %while3A_33  : i32 {
      %mul3A_35 = arith.constant 32 : i32
      %mul3A_36 = arith.muli %while3A_34, %mul3A_35 : i32
      %add3A_37 = arith.addi %add3A, %mul3A_36 : i32
      %mul3A_38 = arith.constant 512 : i32
      %mul3A_39 = arith.muli %add3A_37, %mul3A_38 : i32
      "tpu.region"() ({
        %run_scoped3A = tpu.sem_alloc : memref<!tpu.dma_semaphore, #tpu.memory_space<semaphore_mem>>
        %dma_start3A = arith.constant 0 : i32
        %dma_start3A_47 = tpu.memref_slice %arg2[%dma_start3A, %mul3A_39] : memref<16x2600000xf32, #tpu.memory_space<hbm>> -> memref<16x512xf32, #tpu.memory_space<hbm>>
        %dma_start3A_48 = arith.constant 0 : i32
        %dma_start3A_49 = tpu.memref_slice %arg2[%dma_start3A_48, %mul3A_39] : memref<16x2600000xf32, #tpu.memory_space<hbm>> -> memref<16x512xf32, #tpu.memory_space<hbm>>
        tpu.enqueue_dma source(%dma_start3A_49 : memref<16x512xf32, #tpu.memory_space<hbm>>) target(%arg5 : memref<16x512xf32, #tpu.memory_space<vmem>>) target_semaphore(%run_scoped3A : memref<!tpu.dma_semaphore, #tpu.memory_space<semaphore_mem>>)
        %dma_wait3A = arith.constant 0 : i32
        %dma_wait3A_50 = tpu.memref_slice %arg2[%dma_wait3A, %mul3A_39] : memref<16x2600000xf32, #tpu.memory_space<hbm>> -> memref<16x512xf32, #tpu.memory_space<hbm>>
        %dma_wait3A_51 = arith.constant 0 : i32
        %dma_wait3A_52 = tpu.memref_slice %arg2[%dma_wait3A_51, %mul3A_39] : memref<16x2600000xf32, #tpu.memory_space<hbm>> -> memref<16x512xf32, #tpu.memory_space<hbm>>
        tpu.wait_dma2 semaphore(%run_scoped3A : memref<!tpu.dma_semaphore, #tpu.memory_space<semaphore_mem>>) src(%dma_wait3A_52 : memref<16x512xf32, #tpu.memory_space<hbm>>) dst(%arg5 : memref<16x512xf32, #tpu.memory_space<vmem>>)
        tpu.yield
      }) : () -> ()
      %scan3A = arith.constant 0 : i32
      %scan3A_40 = arith.constant 0 : i32
      %scan3A_41 = arith.constant 512 : i32
      %scan3A_42 = arith.addi %scan3A_40, %scan3A_41 : i32
      %scan3A_43 = arith.constant 1 : i32
      scf.for %scan3A_47 = %scan3A_40 to %scan3A_42 step %scan3A_43  : i32 {
        %broadcast_in_dim3A = vector.broadcast %scan3A_47 : i32 to vector<16xi32>
        %gather3A = tpu.vector_load_idx %arg5[%iota3A, %broadcast_in_dim3A] : memref<16x512xf32, #tpu.memory_space<vmem>>[vector<16xi32>, vector<16xi32>], vector<16xf32>,
        %swap3A = arith.index_cast %scan3A_47 : i32 to index
        %swap3A_48 = arith.constant 0 : index
        %swap3A_49 = tpu.vector_load %arg6[%swap3A, %swap3A_48] {strides = array<i32>} : memref<512x16xf32, #tpu.memory_space<vmem>>, vector<16xf32>,
        tpu.vector_store %arg6[%swap3A, %swap3A_48], %gather3A {strides = array<i32>} : memref<512x16xf32, #tpu.memory_space<vmem>>, vector<16xf32>,
      }
      %scan3A_44 = arith.constant 512 : i32
      %mul3A_45 = arith.constant 512 : i32
      %mul3A_46 = arith.muli %add3A_37, %mul3A_45 : i32
      "tpu.region"() ({
        %run_scoped3A = tpu.sem_alloc : memref<!tpu.dma_semaphore, #tpu.memory_space<semaphore_mem>>
        %dma_start3A = arith.constant 0 : i32
        %dma_start3A_47 = tpu.memref_slice %arg4[%mul3A_46, %dma_start3A] : memref<2600000x16xf32, #tpu.memory_space<hbm>> -> memref<512x16xf32, #tpu.memory_space<hbm>>
        %dma_start3A_48 = arith.constant 0 : i32
        %dma_start3A_49 = tpu.memref_slice %arg4[%mul3A_46, %dma_start3A_48] : memref<2600000x16xf32, #tpu.memory_space<hbm>> -> memref<512x16xf32, #tpu.memory_space<hbm>>
        tpu.enqueue_dma source(%arg6 : memref<512x16xf32, #tpu.memory_space<vmem>>) target(%dma_start3A_49 : memref<512x16xf32, #tpu.memory_space<hbm>>) target_semaphore(%run_scoped3A : memref<!tpu.dma_semaphore, #tpu.memory_space<semaphore_mem>>)
        %dma_wait3A = arith.constant 0 : i32
        %dma_wait3A_50 = tpu.memref_slice %arg4[%mul3A_46, %dma_wait3A] : memref<2600000x16xf32, #tpu.memory_space<hbm>> -> memref<512x16xf32, #tpu.memory_space<hbm>>
        %dma_wait3A_51 = arith.constant 0 : i32
        %dma_wait3A_52 = tpu.memref_slice %arg4[%mul3A_46, %dma_wait3A_51] : memref<2600000x16xf32, #tpu.memory_space<hbm>> -> memref<512x16xf32, #tpu.memory_space<hbm>>
        tpu.wait_dma2 semaphore(%run_scoped3A : memref<!tpu.dma_semaphore, #tpu.memory_space<semaphore_mem>>) src(%arg6 : memref<512x16xf32, #tpu.memory_space<vmem>>) dst(%dma_wait3A_52 : memref<512x16xf32, #tpu.memory_space<hbm>>)
        tpu.yield
      }) : () -> ()
    }
    return
  }
}

</mosaic_0001>

<sc_bundles>
// kernel: _sc_transpose.3.cloned.1.call-start
scs
__scs_entry_jumppad:
0x0: {  	(pc) =	sbr.rel $0x88, $3  }
0x1: {  	(tag) =	ssettag $0x0;
	lr =	simm.s32 $0x1  }
0x2: {  	[smem:$0x3F9F] =	sst lr;
	_ =	strace $0xD0000000  }
0x3: {  	_ = 	snop  }
0x4: {  	_ = 	snop  }
0x5: {  	_ = 	snop  }
0x6: {  	_ = 	snop  }
0x7: {  	_ = 	snop  }
__scs_overlays_trampoline_lowered:
0x8: {  	[smem:$0x3FAE] =	sst s0  }
0x9: {  	[smem:$0x3FAF] =	sst s1  }
0xa: {  	[smem:$0x3FB0] =	sst s2  }
0xb: {  	[smem:$0x3FB1] =	sst s3  }
0xc: {  	[smem:$0x3FB2] =	sst s4  }
0xd: {  	[smem:$0x3FB3] =	sst s5  }
0xe: {  	[smem:$0x3FB4] =	sst s6  }
0xf: {  	[smem:$0x3FB5] =	sst s7  }
0x10: {  	[smem:$0x3FB6] =	sst s8  }
0x11: {  	[smem:$0x3FB7] =	sst s9;
	s0 =	simm.s32 @!p0 $0x0  }
0x12: {  	s1 =	sld [smem:$0x3F9D];
	s0 =	simm.s32 @p0 $0x1  }
0x13: {  	[smem:$0x3FB8] =	sst s0;
	s0 =	simm.s32 @!p1 $0x0  }
0x14: {  	s2 =	sld [smem:$0x3F9C];
	s0 =	simm.s32 @p1 $0x1  }
0x15: {  	[smem:$0x3FB9] =	sst s0;
	s0 =	simm.s32 @!p2 $0x0  }
0x16: {  	s3 =	sld [smem:$0x3FDB];
	s0 =	simm.s32 @p2 $0x1  }
0x17: {  	s4 =	simm.s32 $0x1BF5;
	[smem:$0x3FBB] =	sst s0  }
0x18: {  	s0 =	sld [smem:$0x3F9E];
	_ =	swait.ge [sflag:s4], $0x0  }
0x19: {  	s7 =	sld [smem:$0x3F9F]  }
0x1a: {  	s8 =	sadd.s32 $0xFFFFE003, lr  }
0x1b: {  	s9 =	sadd.s32 $0xFFFFFEF7, lr;
	s5 =	simm.s32 $0xFFFFFFFF;
	p2 =	slt.u32 s8, $0xFFFFF086  }
0x1c: {  	p1 =	slt.u32 s9, $0xF7A;
	s5 =	simm.s32 @!p2 $0x0  }
0x1d: {  	s5 =	simm.s32 @p1 $0x1;
	p0 =	seq.s32 s7, s2  }
0x1e: {  	s7 =	smul.u32 @!p0 $0xF7A, s2;
	p2 =	seq.s32 @!p0 s5, $0x0  }
0x1f: {  	s9 =	smul.u32 $0xF7A, s1;
	s8 =	simm.s32 @!p0 $0x1BF5;
	p2 =	por !p2, p0  }
0x20: {  	[sflag:s8] =	ssyncset.s32 @!p0 $0xFFFFF086;
	s6 =	sadd.s32 @!p0 s3, s7;
	s7 =	simm.s32 @!p0 $0x108  }
0x21: {  	s3 =	sadd.s32 s3, s9;
	s6 =	sadd.s32 @!p0 $0x88, s6;
	s7 =	simm.s32 @p2 $0x1082  }
0x22: {  	[simem:s7], [sflag:s8] =	dma.local @!p0 [hbm:s6], $0xF7A  }
0x23: {  	s9 =	sor.u32 $0xD0000000, s2;
	s6 =	simm.s32 $0x108;
	_ =	swait.ge @!p0 [sflag:s8], $0x0  }
0x24: {  	s3 =	sadd.s32 $0x88, s3;
	s6 =	simm.s32 @!p1 $0x1082;
	[sflag:s4] =	ssyncset.s32 $0xFFFFF086  }
0x25: {  	[simem:s6], [sflag:s4] =	dma.local [hbm:s3], $0xF7A  }
0x26: {  	[smem:$0x3F9F] =	sst s1;
	(tag) =	ssettag s2;
	_ =	strace s9  }
0x27: {  	s1 =	sld [smem:$0x3FAF]  }
0x28: {  	s2 =	sld [smem:$0x3FB0]  }
0x29: {  	s4 =	sld [smem:$0x3FB2]  }
0x2a: {  	p0 =	seq.s32 s5, $0x0;
	s5 =	sld [smem:$0x3FB3]  }
0x2b: {  	s6 =	sld [smem:$0x3FB4]  }
0x2c: {  	s7 =	sld [smem:$0x3FB5]  }
0x2d: {  	s3 =	simm.s32 $0x108;
	s8 =	sld [smem:$0x3FB6]  }
0x2e: {  	s3 =	simm.s32 @!p0 $0x1082;
	s9 =	sld [smem:$0x3FB7]  }
0x2f: {  	lr =	sadd.s32 s0, s3;
	s0 =	sld [smem:$0x3FAE]  }
0x30: {  	s3 =	sld [smem:$0x3FB1]  }
0x31: {  	[smem:$0x3FBA] =	sst s10  }
0x32: {  	s10 =	sld [smem:$0x3FB8];
	_ =	sdelay $0x3  }
0x33: {  	p0 =	seq.s32 s10, $0x1;
	s10 =	sld [smem:$0x3FBA];
	_ =	sdelay $0x3  }
0x34: {  	[smem:$0x3FBA] =	sst s10  }
0x35: {  	s10 =	sld [smem:$0x3FB9];
	_ =	sdelay $0x3  }
0x36: {  	p1 =	seq.s32 s10, $0x1;
	s10 =	sld [smem:$0x3FBA];
	_ =	sdelay $0x3  }
0x37: {  	[smem:$0x3FBA] =	sst s10  }
0x38: {  	s10 =	sld [smem:$0x3FBB]  }
0x39: {  	_ = 	snop;
	(pc) =	sbr.ind lr, $3  }
0x3a: {  	_ = 	snop  }
0x3b: {  	_ = 	snop  }
0x3c: {  	p2 =	seq.s32 s10, $0x1;
	s10 =	sld [smem:$0x3FBA]  }
0x3d: {  	_ =	shalt  }
0x3e: {  	_ =	shalt  }
0x3f: {  	_ =	shalt  }
0x40: {  	_ =	shalt  }
0x41: {  	_ =	shalt  }
0x42: {  	_ =	shalt  }
0x43: {  	_ =	shalt  }
0x44: {  	_ =	shalt  }
0x45: {  	_ =	shalt  }
0x46: {  	_ =	shalt  }
0x47: {  	_ =	shalt  }
0x48: {  	_ =	shalt  }
0x49: {  	_ =	shalt  }
0x4a: {  	_ =	shalt  }
0x4b: {  	_ =	shalt  }
0x4c: {  	_ =	shalt  }
0x4d: {  	_ =	shalt  }
0x4e: {  	_ =	shalt  }
0x4f: {  	_ =	shalt  }
0x50: {  	_ =	shalt  }
0x51: {  	_ =	shalt  }
0x52: {  	_ =	shalt  }
0x53: {  	_ =	shalt  }
0x54: {  	_ =	shalt  }
0x55: {  	_ =	shalt  }
0x56: {  	_ =	shalt  }
0x57: {  	_ =	shalt  }
0x58: {  	_ =	shalt  }
0x59: {  	_ =	shalt  }
0x5a: {  	_ =	shalt  }
0x5b: {  	_ =	shalt  }
0x5c: {  	_ =	shalt  }
0x5d: {  	_ =	shalt  }
0x5e: {  	_ =	shalt  }
0x5f: {  	_ =	shalt  }
0x60: {  	_ =	shalt  }
0x61: {  	_ =	shalt  }
0x62: {  	_ =	shalt  }
0x63: {  	_ =	shalt  }
0x64: {  	_ =	shalt  }
0x65: {  	_ =	shalt  }
0x66: {  	_ =	shalt  }
0x67: {  	_ =	shalt  }
0x68: {  	_ =	shalt  }
0x69: {  	_ =	shalt  }
0x6a: {  	_ =	shalt  }
0x6b: {  	_ =	shalt  }
0x6c: {  	_ =	shalt  }
0x6d: {  	_ =	shalt  }
0x6e: {  	_ =	shalt  }
0x6f: {  	_ =	shalt  }
0x70: {  	_ =	shalt  }
0x71: {  	_ =	shalt  }
0x72: {  	_ =	shalt  }
0x73: {  	_ =	shalt  }
0x74: {  	_ =	shalt  }
0x75: {  	_ =	shalt  }
0x76: {  	_ =	shalt  }
0x77: {  	_ =	shalt  }
0x78: {  	_ =	shalt  }
0x79: {  	_ =	shalt  }
0x7a: {  	_ =	shalt  }
0x7b: {  	_ =	shalt  }
0x7c: {  	_ =	shalt  }
0x7d: {  	_ =	shalt  }
0x7e: {  	_ =	shalt  }
0x7f: {  	_ =	shalt  }
0x80: {  	_ =	shalt  }
0x81: {  	_ =	shalt  }
0x82: {  	_ =	shalt  }
0x83: {  	_ =	shalt  }
0x84: {  	_ =	shalt  }
0x85: {  	_ =	shalt  }
0x86: {  	_ =	shalt  }
0x87: {  	_ =	shalt  }
.Lfunc_end0:
.L_simem_size_0:
called_computation_lowered:
.L_overlay_start_0:
0x88: {  	s2 =	sld [smem:$0x3FD9]  }
0x89: {  	s3 =	sld [smem:$0x3FFE];
	_ =	sdelay $0x1  }
0x8a: {  	s1 =	srdreg.scid  }
0x8b: {  	s0 =	sand.u32 $0x1, s1  }
0x8c: {  	s17 =	sshll.u32 s0, $0xA;
	s2 =	sadd.s32 s3, s2  }
0x8d: {  	s2 =	sadd.s32 s2, s17  }
0x8e: {  	[smem:$0x3FC6] =	sst s2  }
0x8f: {  	_ = 	snop  }
0x90: {  	s2 =	sld [smem:$0x3FC9]  }
0x91: {  	s18 =	sld [smem:$0x3FD0];
	(tm) =	ssettm $0x1  }
0x92: {  	s4 =	sld [smem:$0x3FFB];
	_ =	sdelay $0x3  }
0x93: {  	_ =	strace s4  }
0x94: {  	s4 =	sld [smem:$0x3FFC];
	_ =	sdelay $0x3  }
0x95: {  	_ =	strace s4  }
0x96: {  	s4 =	sld [smem:$0x3FFD];
	_ =	sdelay $0x3  }
0x97: {  	_ =	strace s4  }
0x98: {  	_ =	strace $0x8FFFFFFF  }
0x99: {  	s19 =	sld [smem:$0x3FDB];
	_ =	sdelay $0x1  }
0x9a: {  	s5 =	simm.s32 $_scs_section_size  }
0x9b: {  	s6 =	simm.s32 $_size__tile_overlayer_lowered;
	s7 =	simm.s32 $_tile_overlayer_lowered  }
0x9c: {  	s22 =	simm.s32 $0x1BFF;
	s21 =	sshll.u32 s7, $0x1;
	s4 =	sadd.s32 s5, s19  }
0x9d: {  	s8 =	simm.s32 $0x0;
	s20 =	sshll.u32 s6, $0x1;
	s6 =	sadd.s32 s21, s4  }
0x9e: {  	[timem:s8], [sflag:s22] =	dma.local [hbm:s6], s20  }
0x9f: {  	_ =	swait.ge [sflag:s22], s20  }
0xa0: {  	s5 =	ssub.s32 $0x0, s20;
	[sflag:s22] =	ssyncset.done $0x0  }
0xa1: {  	[sflag:s22] =	ssyncadd.s32 s5;
	_ =	sdelay $0x1  }
0xa2: {  	s23 =	simm.s32 $0x1B8B  }
0xa3: {  	_ =	swait.ge [sflag:s23], $0x1  }
0xa4: {  	[sflag:s23] =	ssyncset.done $0x0  }
0xa5: {  	s25 =	simm.s32 $0x1B8E;
	s24 =	sld [smem:$0x3FFE];
	[sflag:s23] =	ssyncadd.s32 $0xFFFFFFFF  }
0xa6: {  	s26 =	simm.s32 $execute0_lowered;
	[smem:$0x3FD2] =	sst s25  }
0xa7: {  	s6 =	sshll.u32 s26, $0x1;
	_ =	strace $0x80000046;
	[dreg:$0x1] =	wrdreg $0xFFFFFFFF  }
0xa8: {  	s28 =	simm.s32 $_size_execute0_lowered;
	s4 =	sadd.s32 s4, s6;
	[dreg:$0x0] =	wrdreg $0x0  }
0xa9: {  	s6 =	sshll.u32 s28, $0x1;
	[dreg:$0x2] =	wrdreg s4  }
0xaa: {  	[dreg:$0x3] =	wrdreg s6  }
0xab: {  	[dreg:$0x4] =	wrdreg $0xC0  }
0xac: {  	_ =	task [dreg:s8], $0x5FFFF  }
0xad: {  	[dreg:$0x1] =	wrdreg $0xFFFFFFFF  }
0xae: {  	[dreg:$0x0] =	wrdreg $0x60  }
0xaf: {  	[dreg:$0x2] =	wrdreg s2  }
0xb0: {  	[dreg:$0x3] =	wrdreg s18  }
0xb1: {  	[dreg:$0x4] =	wrdreg s24  }
0xb2: {  	[dreg:$0x5] =	wrdreg $0x9  }
0xb3: {  	_ =	task.clear_ibuf [dreg:s8], $0x6FFFF;
	_ =	strace $0x90000046  }
0xb4: {  	s29 =	simm.s32 $0x9;
	_ =	strace $0x80000048  }
0xb5: {  	_ =	swait.ge [sflag:s29], $0x1  }
0xb6: {  	[sflag:s29] =	ssyncadd.s32 $0xFFFFFFFF  }
0xb7: {  	_ =	strace $0x90000048  }
0xb8: {  	_ =	sfence  }
0xb9: {  	s30 =	sld [smem:$0x0];
	_ =	sdelay $0x2  }
0xba: {  	s31 =	sshll.u32 s1, $0xD;
	s1 =	sshrl.u32 s1, $0x2  }
0xbb: {  	s3 =	sand.u32 $0x4000, s31;
	s1 =	sadd.s32 s1, s30  }
0xbc: {  	s0 =	sor.u32 s3, s0;
	s1 =	sshll.u32 s1, $0x11  }
0xbd: {  	s0 =	sor.u32 s1, s0  }
0xbe: {  	s0 =	sadd.s32 $0x8F2B, s0  }
0xbf: {  	[sflag:s0] =	ssyncadd.remote.s32 $0x1  }
0xc0: {  	_ =	sfence.sel $0xFFFF  }
0xc1: {  	[dreg:$0x0] =	wrdreg $0xFFFFFFFF;
	(pc) =	sbr.abs _section_cstart, $3  }
0xc2: {  	[dreg:$0x1] =	wrdreg $0xFFFFFFFF  }
0xc3: {  	_ =	task.clear_ibuf [dreg:s8], $0x2FFFF;
	_ =	strace $0x9FFFFFFF  }
0xc4: {  	(tm) =	ssettm $0x7FFFFFFF  }
0xc5: {  	_ =	shalt  }
tec
execute0_lowered:
.L_overlay_start_1:
0x0: {  	(tag) =	ssettag $0x1  }
0x1: {  	v0 =	vimm.s32 $0x1380;
	vm0 =	vcmask $0x300  }
0x2: {  	vm14 =	vcmask $0x704;
	v0 =	vsel vm0, $0x0, v0  }
0x3: {  	vm15 =	vcmask $0xB08;
	v0 =	vsel vm14, $0x80, v0  }
0x4: {  	vm4 =	vcmask $0xF0C;
	v0 =	vsel vm15, $0x100, v0  }
0x5: {  	vm5 =	vcmask $0x1310;
	s0 =	rddreg [dreg:$0x0];
	v0 =	vsel vm4, $0x180, v0  }
0x6: {  	vm6 =	vcmask $0x1714;
	s2 =	rddreg [dreg:$0x1];
	v0 =	vsel vm5, $0x200, v0  }
0x7: {  	vm7 =	vcmask $0x1B18;
	s6 =	rddreg [dreg:$0x2];
	v0 =	vsel vm6, $0x280, v0  }
0x8: {  	vm8 =	vcmask $0x1F1C;
	s1 =	rddreg [dreg:$0x3];
	v0 =	vsel vm7, $0x300, v0  }
0x9: {  	s3 =	simm.s32 $0x0;
	s5 =	srdreg.scid;
	vm9 =	vcmask $0x2320;
	s4 =	stileid.u32;
	v0 =	vsel vm8, $0x380, v0  }
0xa: {  	vm10 =	vcmask $0x2724;
	s12 =	simm.s32 $0x1;
	s13 =	simm.s32 $0x2000;
	s14 =	simm.s32 $0x0;
	v0 =	vsel vm9, $0x1000, v0  }
0xb: {  	vm11 =	vcmask $0x2B28;
	s19 =	simm.s32 $0x1;
	[smem:$0x7FF] =	sst s3;
	s7 =	sand.u32 $0x1, s5;
	v0 =	vsel vm10, $0x1080, v0  }
0xc: {  	vm12 =	vcmask $0x2F2C;
	s9 =	sshll.u32 s4, $0x1;
	s5 =	sadd.s32 $0x400, s6;
	s6 =	sadd.s32 $0x27AC400, s6;
	v0 =	vsel vm11, $0x1100, v0  }
0xd: {  	vm13 =	vcmask $0x3330;
	_ =	strace $0x80000047;
	s8 =	ssub.s32 $0x2, s7;
	s11 =	sor.u32 s7, s9;
	v0 =	vsel vm12, $0x1180, v0  }
0xe: {  	vm14 =	vcmask $0x3734;
	s10 =	sshrl.u32 s8, $0x1;
	s7 =	ssub.s32 $0x13F5, s11;
	p0 =	sne.s32 s11, $0x0;
	v0 =	vsel vm13, $0x1200, v0  }
0xf: {  	vm15 =	vcmask $0x3B38;
	s31 =	ssub.s32 s8, s10;
	s7 =	sshrl.u32 s7, $0x5;
	s8 =	sshll.u32 s11, $0x9;
	v0 =	vsel vm14, $0x1280, v0  }
0x10: {  	s10 =	simm.s32 $0x1000;
	s11 =	simm.s32 $0x13D6400;
	s9 =	smax.u32 s31, $0x1;
	v0 =	vsel vm15, $0x1300, v0  }
.LBB2_1:
0x11: {  	s15 =	simm.s32 @!p0 $0x0;
	s16 =	simm.s32 @!p0 $0x12000;
	s17 =	simm.s32 @!p0 $0x1  }
0x12: {  	[tilespmem:s16], [sflag:$0x1] =	stream.linear.gather @!p0 [hbm4b:s2+s15], $0x2000, $0x38;
	[tilespmem:$0x14000] =	vst v63  }
0x13: {  	_ =	swait.ge @!p0 [sflag:s17], $0x2000  }
0x14: {  	[sflag:s17] =	ssyncset.done @!p0 $0x0  }
0x15: {  	[sflag:s17] =	ssyncadd.s32 @!p0 $0xFFFFE000  }
0x16: {  	[hbm4b:s6+s15] =	stream.linear.scatter @!p0 [tilespmem:s16], [sflag:$0x1], $0x2000, $0x38;
	[tilespmem:$0x14000] =	vst v63  }
0x17: {  	_ =	swait.ge @!p0 [sflag:s17], $0x2000  }
0x18: {  	[sflag:s17] =	ssyncset.done @!p0 $0x0  }
0x19: {  	s15 =	simm.s32 $0x0;
	[sflag:s17] =	ssyncadd.s32 @!p0 $0xFFFFE000  }
.LBB2_2:
0x1a: {  	s17 =	simm.s32 $0x0  }
0x1b: {  	v1 =	vmov s17  }
0x1c: {  	v2 =	vshll.u32 v1, $0x3  }
0x1d: {  	s16 =	sshll.u32 s15, $0xE;
	v1 =	vand.u32 $0x7F, v1;
	v2 =	vand.u32 $0xC00, v2  }
0x1e: {  	s16 =	sor.u32 s8, s16;
	v1 =	vor.u32 v2, v1  }
0x1f: {  	s18 =	sadd.s32 s0, s16;
	v1 =	vor.u32 v0, v1  }
0x20: {  	[tilespmem:s17], [sflag:$0x1] =	stream.strided.gather [hbm4b:s18+s10], $0x2000, s11, s10, $0x38;
	[tilespmem:$0x14000] =	vst v63  }
0x21: {  	v2 =	vmov s19;
	_ =	swait.ge [sflag:s12], $0x2000  }
0x22: {  	v3 =	vshll.u32 v2, $0x3;
	[sflag:s12] =	ssyncset.done $0x0  }
0x23: {  	v2 =	vand.u32 $0x7F, v2;
	v3 =	vand.u32 $0xC00, v3;
	[sflag:s12] =	ssyncadd.s32 $0xFFFFE000  }
0x24: {  	v3 =	vor.u32 v3, v2;
	v2 =	vld.idx.msk [tilespmem:v1+s3+$0x0], $0xffff  }
0x25: {  	v1 =	vor.u32 v0, v3;
	_ =	sdelay $0x1  }
0x26: {  	s31 =	simm.s32 $0x2  }
0x27: {  	s17 =	simm.s32 $0x2000;
	s18 =	simm.s32 $0x3;
	v3 =	vmov s31  }
.LBB2_3:
0x28: {  	p1 =	sne.s32 s18, $0x1FF;
	v4 =	vshll.u32 v3, $0x3;
	[tilespmem:s17+$0x0] =	vst v2  }
0x29: {  	v3 =	vand.u32 $0x7F, v3;
	v4 =	vand.u32 $0xC00, v4;
	v2 =	vld.idx.msk [tilespmem:v1+s3+$0x0], $0xffff  }
.Ltmp0:
0x2a: {  	v1 =	vor.u32 v4, v3;
	(pc) =	sbr.rel @p1 .LBB2_3-.Ltmp0, $2  }
0x2b: {  	v1 =	vor.u32 v0, v1;
	_ =	sdelay $0x2  }
0x2c: {  	s17 =	sadd.s32 $0x80, s17;
	v3 =	vmov s18;
	s18 =	sadd.s32 $0x1, s18  }
0x2d: {  	_ =	sdelay $0x1  }
0x2e: {  	v4 =	vshll.u32 v3, $0x3  }
0x2f: {  	[tilespmem:s17+$0x0] =	vst v2;
	v2 =	vand.u32 $0x7F, v3;
	v3 =	vand.u32 $0xC00, v4  }
0x30: {  	v1 =	vld.idx.msk [tilespmem:v1+s3+$0x0], $0xffff;
	v2 =	vor.u32 v3, v2  }
0x31: {  	v2 =	vor.u32 v0, v2;
	_ =	sdelay $0x2  }
0x32: {  	s31 =	sadd.s32 $0x80, s17  }
0x33: {  	[tilespmem:s31+$0x0] =	vst v1  }
0x34: {  	v1 =	vld.idx.msk [tilespmem:v2+s3+$0x0], $0xffff;
	_ =	sdelay $0x2  }
0x35: {  	s15 =	sadd.s32 $0x1, s15  }
0x36: {  	s16 =	sshll.u32 s16, $0x4;
	s17 =	sadd.s32 $0x80, s31;
	p1 =	sne.s32 s15, s7  }
.Ltmp1:
0x37: {  	s16 =	sadd.s32 s5, s16;
	[tilespmem:s17+$0x0] =	vst v1;
	(pc) =	sbr.rel @p1 .LBB2_2-.Ltmp1, $4  }
0x38: {  	[hbm4b:s16+s3] =	stream.linear.scatter [tilespmem:s13], [sflag:$0x1], $0x10000, $0x38;
	[tilespmem:$0x14000] =	vst v63  }
0x39: {  	_ =	swait.ge [sflag:s12], $0x10000  }
0x3a: {  	[sflag:s12] =	ssyncset.done $0x0  }
0x3b: {  	[sflag:s12] =	ssyncadd.s32 $0xFFFF0000  }
0x3c: {  	s14 =	sadd.s32 $0x1, s14  }
0x3d: {  	p1 =	sne.s32 s14, s9  }
.Ltmp2:
0x3e: {  	_ = 	snop;
	(pc) =	sbr.rel @p1 .LBB2_1-.Ltmp2, $1  }
0x3f: {  	_ =	sdelay $0x3  }
0x40: {  	_ =	sfence.sel $0x180000  }
0x41: {  	[bflag:$0x0] =	sbarrier.arrive $0xFFFF  }
0x42: {  	p0 =	sne.s32 s4, $0x0;
	_ =	strace $0x90000047  }
0x43: {  	s0 =	sadd.s32 @!p0 $0x100000, s1;
	[bflag:$0x2] =	sbarrier.arrive $0xFFFF  }
0x44: {  	[sflag:s0] =	ssyncadd.tile.s32 @!p0 $0x1;
	_ =	shalt  }
.Lfunc_end2:
_tile_overlayer_lowered:
.L_overlay_start_2:
0x45: {  	(tag) =	ssettag $0x2  }
0x46: {  	s0 =	rddreg [dreg:$0x0];
	s2 =	stileid.u32  }
0x47: {  	s1 =	rddreg [dreg:$0x1];
	p0 =	sne.s32 s2, $0x0  }
0x48: {  	s3 =	rddreg [dreg:$0x2];
	[bflag:$0x3] =	sbarrier.arrive $0xFFFF;
	s2 =	simm.s32 @!p0 $0x1C01  }
0x49: {  	[timem:s3], [sflag:s2] =	dma.local @!p0 [hbm:s0], s1  }
0x4a: {  	s0 =	simm.s32 @!p0 $0x1  }
0x4b: {  	_ =	swait.ge @!p0 [sflag:s0], s1  }
0x4c: {  	s1 =	ssub.s32 @!p0 $0x0, s1;
	[sflag:s0] =	ssyncset.done @!p0 $0x0  }
0x4d: {  	[sflag:s0] =	ssyncadd.s32 @!p0 s1  }
0x4e: {  	[bflag:$0x3] =	sbarrier.arrive $0xFFFF  }
0x4f: {  	_ =	shalt  }

</sc_bundles>
